<compile_context>
chip_gen: v7x
topology: tpu7x:2x2x1
jax: 0.10.2.dev20260603
libtpu: 0.0.44.dev20260713+nightly
codegen_flags: <defaults>
</compile_context>

<pallas_src>
import functools

import jax
import jax.numpy as jnp
from jax import lax
from jax.experimental import pallas as pl
from jax.experimental.pallas import tpu as pltpu

_T = 512


def _vq_body(x_ref, w_ref, b_ref, cv_ref,
             dist_ref, enc_ref, quant_ref, pcounts_ref,
             *, n_groups, n_codes, group_dim):
    x = x_ref[...]
    w = w_ref[...]
    b = b_ref[...]
    h = jnp.dot(x, w, preferred_element_type=jnp.float32) + b

    iota = lax.broadcasted_iota(jnp.int32, (x.shape[0], n_codes), 1)
    count_rows = []
    for g in range(n_groups):
        hg = h[:, g * group_dim:(g + 1) * group_dim]
        cvg = cv_ref[g]
        hc = lax.dot_general(
            hg, cvg, (((1,), (1,)), ((), ())),
            preferred_element_type=jnp.float32,
            precision=lax.Precision.HIGHEST)
        h2 = jnp.sum(hg * hg, axis=1, keepdims=True)
        c2 = jnp.sum(cvg * cvg, axis=1)[None, :]
        dist = h2 - 2.0 * hc + c2
        dist_ref[g] = dist
        mn = jnp.min(dist, axis=1, keepdims=True)
        idx = jnp.min(jnp.where(dist == mn, iota, n_codes), axis=1)
        enc = (iota == idx[:, None]).astype(jnp.float32)
        enc_ref[g] = enc
        enc16 = enc.astype(jnp.bfloat16)
        cv_hi = cvg.astype(jnp.bfloat16)
        cv_lo = (cvg - cv_hi.astype(jnp.float32)).astype(jnp.bfloat16)
        quant_ref[:, g * group_dim:(g + 1) * group_dim] = (
            jnp.dot(enc16, cv_hi, preferred_element_type=jnp.float32)
            + jnp.dot(enc16, cv_lo, preferred_element_type=jnp.float32))
        count_rows.append(jnp.sum(enc, axis=0, keepdims=True))

    pcounts_ref[0] = jnp.concatenate(count_rows, axis=0)


def _perp_body(pcounts_ref, perp_ref, *, n_tokens):
    counts = jnp.sum(pcounts_ref[...], axis=0)
    probs = counts * (1.0 / n_tokens)
    probs = jnp.clip(probs, 1e-10, 1.0)
    ent = -jnp.sum(probs * jnp.log(probs + 1e-10), axis=1, keepdims=True)
    perp_ref[...] = jnp.mean(jnp.exp(ent), axis=0, keepdims=True)


def kernel(hidden_states, W, b, codevectors):
    B, S, D = hidden_states.shape
    G, K, GD = codevectors.shape
    N = B * S
    assert N % _T == 0
    n_steps = N // _T

    x = hidden_states.reshape(N, D)
    b2 = b.reshape(1, G * GD)

    body = functools.partial(
        _vq_body, n_groups=G, n_codes=K, group_dim=GD)

    dist, enc, quant, pcounts = pl.pallas_call(
        body,
        grid=(n_steps,),
        in_specs=[
            pl.BlockSpec((_T, D), lambda i: (i, 0)),
            pl.BlockSpec((D, G * GD), lambda i: (0, 0)),
            pl.BlockSpec((1, G * GD), lambda i: (0, 0)),
            pl.BlockSpec((G, K, GD), lambda i: (0, 0, 0)),
        ],
        out_specs=[
            pl.BlockSpec((G, _T, K), lambda i: (0, i, 0)),
            pl.BlockSpec((G, _T, K), lambda i: (0, i, 0)),
            pl.BlockSpec((_T, G * GD), lambda i: (i, 0)),
            pl.BlockSpec((1, G, K), lambda i: (i, 0, 0)),
        ],
        out_shape=[
            jax.ShapeDtypeStruct((G, N, K), jnp.float32),
            jax.ShapeDtypeStruct((G, N, K), jnp.float32),
            jax.ShapeDtypeStruct((N, G * GD), jnp.float32),
            jax.ShapeDtypeStruct((n_steps, G, K), jnp.float32),
        ],
        compiler_params=pltpu.CompilerParams(
            dimension_semantics=("parallel",)),
    )(x, W, b2, codevectors)

    perp = pl.pallas_call(
        functools.partial(_perp_body, n_tokens=N),
        out_shape=jax.ShapeDtypeStruct((1, 1), jnp.float32),
    )(pcounts)

    quantized_features = quant.reshape(B, S, G * GD)
    encodings = enc.reshape(G, B, S, K)
    distances = dist.reshape(G, B, S, K)
    return (quantized_features, encodings, distances, perp.reshape(()))

# --- scband reference (transcript-rebuilt; emitter-appended) ---
"""Pipeline reference for scband-wav2-vec2-quantizer-58875411694322 (READ-ONLY COPY).

The authoritative reference and input builder live on the scoring server;
editing this copy changes nothing except your own understanding.
"""

import jax, jax.numpy as jnp
import numpy as np


def setup_inputs(seed: int = 0) -> dict:
    key = jax.random.key(seed)
    k1, k2, k3 = jax.random.split(key, 3)
    hidden_states = jax.random.normal(k1, (16, 1024, 512), dtype=jnp.float32)
    # projection: Dense(512 -> 256)
    W = jax.random.normal(k2, (512, 256), dtype=jnp.float32) * 0.02
    b = jnp.zeros((256,), dtype=jnp.float32)
    # codevectors: [groups=2, codes_per_group=320, group_dim=128]
    codevectors = jax.random.normal(k3, (2, 320, 128), dtype=jnp.float32)
    return {"hidden_states": hidden_states, "W": W, "b": b, "codevectors": codevectors}


def reference(hidden_states, W, b, codevectors):
    B, S, _ = hidden_states.shape
    G, K, GD = codevectors.shape
    h = hidden_states @ W + b  # project_to_codevector_dim
    h = h.reshape(B, S, G, GD)
    dists = []
    encs = []
    quants = []
    for i in range(G):
        group_hidden = h[:, :, i, :]                      # [B, S, GD]
        group_vectors = codevectors[i]                    # [K, GD]
        diff = group_hidden[:, :, None, :] - group_vectors[None, None, :, :]
        dist = jnp.sum(jnp.square(diff), axis=-1)         # [B, S, K]
        dists.append(dist)
        idx = jnp.argmin(dist, axis=-1)                   # [B, S]
        enc = jax.nn.one_hot(idx, K, dtype=jnp.float32)   # [B, S, K]
        encs.append(enc)
        quants.append(enc @ group_vectors)                # [B, S, GD]
    distances = jnp.stack(dists, axis=0)                  # [G, B, S, K]
    encodings = jnp.stack(encs, axis=0)                   # [G, B, S, K]
    quantized_features = jnp.concatenate(quants, axis=-1) # [B, S, G*GD]
    avg_probs = jnp.mean(encodings, axis=(1, 2))          # [G, K]
    avg_probs = jnp.clip(avg_probs, 1e-10, 1.0)
    perplexity = jnp.exp(-jnp.sum(avg_probs * jnp.log(avg_probs + 1e-10), axis=-1))
    codevector_perplexity = jnp.mean(perplexity)
    return (quantized_features, encodings, distances, codevector_perplexity)

if __name__ == "__main__":
    import jax
    _d = setup_inputs()
    print(jax.jit(kernel)(*tuple(_d.values())))

</pallas_src>

<mosaic_0001>
module attributes {stable_mosaic.version = 14 : i64} {
  func.func @_perp_body(%arg0: memref<32x2x320xf32, #tpu.memory_space<vmem>>, %arg1: memref<1x1xf32, #tpu.memory_space<vmem>>) attributes {dimension_semantics = [], scalar_prefetch = 0 : i64, scratch_operands = 0 : i64, tpu.core_type = #tpu.core_type<tc>} {
    %get3A = arith.constant 0 : index
    %get3A_0 = arith.constant 0 : index
    %get3A_1 = arith.constant 0 : index
    %get3A_2 = vector.load %arg0[%get3A, %get3A_0, %get3A_1] : memref<32x2x320xf32, #tpu.memory_space<vmem>>, vector<32x2x320xf32>
    %reduce_sum3A = arith.constant dense<0.000000e+00> : vector<2x320xf32>
    %reduce_sum3A_3 = vector.multi_reduction <add>, %get3A_2, %reduce_sum3A [0] : vector<32x2x320xf32> to vector<2x320xf32>
    %mul3A = arith.constant 6.10351563E-5 : f32
    %mul3A_4 = vector.broadcast %mul3A : f32 to vector<2x320xf32>
    %mul3A_5 = arith.mulf %reduce_sum3A_3, %mul3A_4 : vector<2x320xf32>
    %jit3A = arith.constant 1.000000e-10 : f32
    %jit3A_6 = arith.constant 1.000000e+00 : f32
    %max3A = vector.broadcast %jit3A : f32 to vector<2x320xf32>
    %max3A_7 = arith.maximumf %max3A, %mul3A_5 : vector<2x320xf32>
    %min3A = vector.broadcast %jit3A_6 : f32 to vector<2x320xf32>
    %min3A_8 = arith.minimumf %min3A, %max3A_7 : vector<2x320xf32>
    %add3A = arith.constant 1.000000e-10 : f32
    %add3A_9 = vector.broadcast %add3A : f32 to vector<2x320xf32>
    %add3A_10 = arith.addf %min3A_8, %add3A_9 : vector<2x320xf32>
    %log3A = math.log %add3A_10 : vector<2x320xf32>
    %mul3A_11 = arith.mulf %min3A_8, %log3A : vector<2x320xf32>
    %reduce_sum3A_12 = arith.constant dense<0.000000e+00> : vector<2xf32>
    %reduce_sum3A_13 = vector.multi_reduction <add>, %mul3A_11, %reduce_sum3A_12 [1] : vector<2x320xf32> to vector<2xf32>
    %broadcast_in_dim3A = vector.shape_cast %reduce_sum3A_13 : vector<2xf32> to vector<2x1xf32>
    %neg3A = arith.constant 0.000000e+00 : f32
    %neg3A_14 = vector.broadcast %neg3A : f32 to vector<2x1xf32>
    %neg3A_15 = arith.subf %neg3A_14, %broadcast_in_dim3A : vector<2x1xf32>
    %exp3A = math.exp %neg3A_15 : vector<2x1xf32>
    %reduce_sum3A_16 = arith.constant dense<0.000000e+00> : vector<1xf32>
    %reduce_sum3A_17 = vector.multi_reduction <add>, %exp3A, %reduce_sum3A_16 [0] : vector<2x1xf32> to vector<1xf32>
    %broadcast_in_dim3A_18 = vector.shape_cast %reduce_sum3A_17 : vector<1xf32> to vector<1x1xf32>
    %div3A = arith.constant 2.000000e+00 : f32
    %div3A_19 = vector.broadcast %div3A : f32 to vector<1x1xf32>
    %div3A_20 = arith.divf %broadcast_in_dim3A_18, %div3A_19 : vector<1x1xf32>
    %swap3A = arith.constant 0 : index
    %swap3A_21 = arith.constant 0 : index
    %swap3A_22 = vector.load %arg1[%swap3A, %swap3A_21] : memref<1x1xf32, #tpu.memory_space<vmem>>, vector<1x1xf32>
    tpu.vector_store %arg1[%swap3A, %swap3A_21], %div3A_20 {strides = array<i32>} : memref<1x1xf32, #tpu.memory_space<vmem>>, vector<1x1xf32>,
    return
  }
}

module attributes {stable_mosaic.version = 14 : i64} {
  func.func @_vq_body(%arg0: i32, %arg1: memref<512x512xf32, #tpu.memory_space<vmem>>, %arg2: memref<512x256xf32, #tpu.memory_space<vmem>>, %arg3: memref<1x256xf32, #tpu.memory_space<vmem>>, %arg4: memref<2x320x128xf32, #tpu.memory_space<vmem>>, %arg5: memref<2x512x320xf32, #tpu.memory_space<vmem>>, %arg6: memref<2x512x320xf32, #tpu.memory_space<vmem>>, %arg7: memref<512x256xf32, #tpu.memory_space<vmem>>, %arg8: memref<1x2x320xf32, #tpu.memory_space<vmem>>) attributes {dimension_semantics = [#tpu.dimension_semantics<parallel>], iteration_bounds = array<i64: 32>, scalar_prefetch = 0 : i64, scratch_operands = 0 : i64, tpu.core_type = #tpu.core_type<tc>, window_params = [{transform_indices = @transform_0, window_bounds = array<i64: 512, 512>}, {pipeline_mode = #tpu.pipeline_mode<synchronous>, transform_indices = @transform_1, window_bounds = array<i64: 512, 256>}, {pipeline_mode = #tpu.pipeline_mode<synchronous>, transform_indices = @transform_2, window_bounds = array<i64: 1, 256>}, {pipeline_mode = #tpu.pipeline_mode<synchronous>, transform_indices = @transform_3, window_bounds = array<i64: 2, 320, 128>}, {transform_indices = @transform_4, window_bounds = array<i64: 2, 512, 320>}, {transform_indices = @transform_5, window_bounds = array<i64: 2, 512, 320>}, {transform_indices = @transform_6, window_bounds = array<i64: 512, 256>}, {transform_indices = @transform_7, window_bounds = array<i64: 1, 2, 320>}]} {
    %get3A = arith.constant 0 : index
    %get3A_0 = arith.constant 0 : index
    %get3A_1 = vector.load %arg1[%get3A, %get3A_0] : memref<512x512xf32, #tpu.memory_space<vmem>>, vector<512x512xf32>
    %get3A_2 = arith.constant 0 : index
    %get3A_3 = arith.constant 0 : index
    %get3A_4 = vector.load %arg2[%get3A_2, %get3A_3] : memref<512x256xf32, #tpu.memory_space<vmem>>, vector<512x256xf32>
    %get3A_5 = arith.constant 0 : index
    %get3A_6 = arith.constant 0 : index
    %get3A_7 = vector.load %arg3[%get3A_5, %get3A_6] : memref<1x256xf32, #tpu.memory_space<vmem>>, vector<1x256xf32>
    %dot_general3A = arith.constant dense<0.000000e+00> : vector<512x256xf32>
    %dot_general3A_8 = tpu.matmul %get3A_1, %get3A_4, %dot_general3A {dimension_numbers = #tpu.dot_dimension_numbers<[1], [0], [0], [1], [0, 0, 1, 1], [], []>, transpose_lhs_hint = false} : vector<512x512xf32>, vector<512x256xf32>, vector<512x256xf32> -> vector<512x256xf32>
    %add3A = vector.broadcast %get3A_7 : vector<1x256xf32> to vector<512x256xf32>
    %add3A_9 = arith.addf %dot_general3A_8, %add3A : vector<512x256xf32>
    %iota3A = tpu.iota {dimensions = array<i32: 1>} : vector<512x320xi32>
    %slice3A = vector.extract_strided_slice %add3A_9 {offsets = [0, 0], sizes = [512, 128], strides = [1, 1]} : vector<512x256xf32> to vector<512x128xf32>
    %get3A_10 = arith.constant 0 : index
    %get3A_11 = arith.constant 0 : index
    %get3A_12 = arith.constant 0 : index
    %get3A_13 = vector.load %arg4[%get3A_10, %get3A_11, %get3A_12] : memref<2x320x128xf32, #tpu.memory_space<vmem>>, vector<1x320x128xf32>
    %get3A_14 = vector.shape_cast %get3A_13 : vector<1x320x128xf32> to vector<320x128xf32>
    %dot_general3A_15 = arith.constant dense<0.000000e+00> : vector<512x320xf32>
    %dot_general3A_16 = tpu.matmul %slice3A, %get3A_14, %dot_general3A_15 {dimension_numbers = #tpu.dot_dimension_numbers<[1], [1], [0], [0], [0, 0, 1, 0], [], []>, precision = #tpu.contract_precision<fp32>, transpose_lhs_hint = false} : vector<512x128xf32>, vector<320x128xf32>, vector<512x320xf32> -> vector<512x320xf32>
    %mul3A = arith.mulf %slice3A, %slice3A : vector<512x128xf32>
    %reduce_sum3A = arith.constant dense<0.000000e+00> : vector<512xf32>
    %reduce_sum3A_17 = vector.multi_reduction <add>, %mul3A, %reduce_sum3A [1] : vector<512x128xf32> to vector<512xf32>
    %broadcast_in_dim3A = vector.shape_cast %reduce_sum3A_17 : vector<512xf32> to vector<512x1xf32>
    %mul3A_18 = arith.mulf %get3A_14, %get3A_14 : vector<320x128xf32>
    %reduce_sum3A_19 = arith.constant dense<0.000000e+00> : vector<320xf32>
    %reduce_sum3A_20 = vector.multi_reduction <add>, %mul3A_18, %reduce_sum3A_19 [1] : vector<320x128xf32> to vector<320xf32>
    %broadcast_in_dim3A_21 = vector.shape_cast %reduce_sum3A_20 : vector<320xf32> to vector<1x320xf32>
    %mul3A_22 = arith.constant 2.000000e+00 : f32
    %mul3A_23 = vector.broadcast %mul3A_22 : f32 to vector<512x320xf32>
    %mul3A_24 = arith.mulf %mul3A_23, %dot_general3A_16 : vector<512x320xf32>
    %sub3A = vector.broadcast %broadcast_in_dim3A : vector<512x1xf32> to vector<512x320xf32>
    %sub3A_25 = arith.subf %sub3A, %mul3A_24 : vector<512x320xf32>
    %add3A_26 = vector.broadcast %broadcast_in_dim3A_21 : vector<1x320xf32> to vector<512x320xf32>
    %add3A_27 = arith.addf %sub3A_25, %add3A_26 : vector<512x320xf32>
    %swap3A = arith.constant 0 : index
    %swap3A_28 = arith.constant 0 : index
    %swap3A_29 = arith.constant 0 : index
    %swap3A_30 = vector.load %arg5[%swap3A, %swap3A_28, %swap3A_29] : memref<2x512x320xf32, #tpu.memory_space<vmem>>, vector<1x512x320xf32>
    %swap3A_31 = vector.shape_cast %swap3A_30 : vector<1x512x320xf32> to vector<512x320xf32>
    %swap3A_32 = vector.shape_cast %add3A_27 : vector<512x320xf32> to vector<1x512x320xf32>
    tpu.vector_store %arg5[%swap3A, %swap3A_28, %swap3A_29], %swap3A_32 {strides = array<i32>} : memref<2x512x320xf32, #tpu.memory_space<vmem>>, vector<1x512x320xf32>,
    %reduce_min3A = arith.constant dense<0x7F800000> : vector<512xf32>
    %reduce_min3A_33 = vector.multi_reduction <minimumf>, %add3A_27, %reduce_min3A [1] : vector<512x320xf32> to vector<512xf32>
    %broadcast_in_dim3A_34 = vector.shape_cast %reduce_min3A_33 : vector<512xf32> to vector<512x1xf32>
    %eq3A = vector.broadcast %broadcast_in_dim3A_34 : vector<512x1xf32> to vector<512x320xf32>
    %eq3A_35 = arith.cmpf oeq, %add3A_27, %eq3A : vector<512x320xf32>
    %jit3A = arith.constant 320 : i32
    %broadcast_in_dim3A_36 = vector.broadcast %jit3A : i32 to vector<512x320xi32>
    %select_n3A = arith.select %eq3A_35, %iota3A, %broadcast_in_dim3A_36 : vector<512x320xi1>, vector<512x320xi32>
    %reduce_min3A_37 = arith.constant dense<2147483647> : vector<512xi32>
    %reduce_min3A_38 = vector.multi_reduction <minsi>, %select_n3A, %reduce_min3A_37 [1] : vector<512x320xi32> to vector<512xi32>
    %broadcast_in_dim3A_39 = vector.shape_cast %reduce_min3A_38 : vector<512xi32> to vector<512x1xi32>
    %eq3A_40 = vector.broadcast %broadcast_in_dim3A_39 : vector<512x1xi32> to vector<512x320xi32>
    %eq3A_41 = arith.cmpi eq, %iota3A, %eq3A_40 : vector<512x320xi32>
    %convert_element_type3A = arith.extui %eq3A_41 : vector<512x320xi1> to vector<512x320xi32>
    %convert_element_type3A_42 = arith.sitofp %convert_element_type3A : vector<512x320xi32> to vector<512x320xf32>
    %swap3A_43 = arith.constant 0 : index
    %swap3A_44 = arith.constant 0 : index
    %swap3A_45 = arith.constant 0 : index
    %swap3A_46 = vector.load %arg6[%swap3A_43, %swap3A_44, %swap3A_45] : memref<2x512x320xf32, #tpu.memory_space<vmem>>, vector<1x512x320xf32>
    %swap3A_47 = vector.shape_cast %swap3A_46 : vector<1x512x320xf32> to vector<512x320xf32>
    %swap3A_48 = vector.shape_cast %convert_element_type3A_42 : vector<512x320xf32> to vector<1x512x320xf32>
    tpu.vector_store %arg6[%swap3A_43, %swap3A_44, %swap3A_45], %swap3A_48 {strides = array<i32>} : memref<2x512x320xf32, #tpu.memory_space<vmem>>, vector<1x512x320xf32>,
    %convert_element_type3A_49 = arith.truncf %convert_element_type3A_42 : vector<512x320xf32> to vector<512x320xbf16>
    %convert_element_type3A_50 = arith.truncf %get3A_14 : vector<320x128xf32> to vector<320x128xbf16>
    %convert_element_type3A_51 = arith.extf %convert_element_type3A_50 : vector<320x128xbf16> to vector<320x128xf32>
    %sub3A_52 = arith.subf %get3A_14, %convert_element_type3A_51 : vector<320x128xf32>
    %convert_element_type3A_53 = arith.truncf %sub3A_52 : vector<320x128xf32> to vector<320x128xbf16>
    %dot_general3A_54 = arith.constant dense<0.000000e+00> : vector<512x128xf32>
    %dot_general3A_55 = tpu.matmul %convert_element_type3A_49, %convert_element_type3A_50, %dot_general3A_54 {dimension_numbers = #tpu.dot_dimension_numbers<[1], [0], [0], [1], [0, 0, 1, 1], [], []>, transpose_lhs_hint = false} : vector<512x320xbf16>, vector<320x128xbf16>, vector<512x128xf32> -> vector<512x128xf32>
    %dot_general3A_56 = arith.constant dense<0.000000e+00> : vector<512x128xf32>
    %dot_general3A_57 = tpu.matmul %convert_element_type3A_49, %convert_element_type3A_53, %dot_general3A_56 {dimension_numbers = #tpu.dot_dimension_numbers<[1], [0], [0], [1], [0, 0, 1, 1], [], []>, transpose_lhs_hint = false} : vector<512x320xbf16>, vector<320x128xbf16>, vector<512x128xf32> -> vector<512x128xf32>
    %add3A_58 = arith.addf %dot_general3A_55, %dot_general3A_57 : vector<512x128xf32>
    %swap3A_59 = arith.constant 0 : index
    %swap3A_60 = arith.constant 0 : index
    %swap3A_61 = vector.load %arg7[%swap3A_59, %swap3A_60] : memref<512x256xf32, #tpu.memory_space<vmem>>, vector<512x128xf32>
    tpu.vector_store %arg7[%swap3A_59, %swap3A_60], %add3A_58 {strides = array<i32>} : memref<512x256xf32, #tpu.memory_space<vmem>>, vector<512x128xf32>,
    %reduce_sum3A_62 = arith.constant dense<0.000000e+00> : vector<320xf32>
    %reduce_sum3A_63 = vector.multi_reduction <add>, %convert_element_type3A_42, %reduce_sum3A_62 [0] : vector<512x320xf32> to vector<320xf32>
    %broadcast_in_dim3A_64 = vector.shape_cast %reduce_sum3A_63 : vector<320xf32> to vector<1x320xf32>
    %slice3A_65 = vector.extract_strided_slice %add3A_9 {offsets = [0, 128], sizes = [512, 128], strides = [1, 1]} : vector<512x256xf32> to vector<512x128xf32>
    %get3A_66 = arith.constant 1 : index
    %get3A_67 = arith.constant 0 : index
    %get3A_68 = arith.constant 0 : index
    %get3A_69 = vector.load %arg4[%get3A_66, %get3A_67, %get3A_68] : memref<2x320x128xf32, #tpu.memory_space<vmem>>, vector<1x320x128xf32>
    %get3A_70 = vector.shape_cast %get3A_69 : vector<1x320x128xf32> to vector<320x128xf32>
    %dot_general3A_71 = arith.constant dense<0.000000e+00> : vector<512x320xf32>
    %dot_general3A_72 = tpu.matmul %slice3A_65, %get3A_70, %dot_general3A_71 {dimension_numbers = #tpu.dot_dimension_numbers<[1], [1], [0], [0], [0, 0, 1, 0], [], []>, precision = #tpu.contract_precision<fp32>, transpose_lhs_hint = false} : vector<512x128xf32>, vector<320x128xf32>, vector<512x320xf32> -> vector<512x320xf32>
    %mul3A_73 = arith.mulf %slice3A_65, %slice3A_65 : vector<512x128xf32>
    %reduce_sum3A_74 = arith.constant dense<0.000000e+00> : vector<512xf32>
    %reduce_sum3A_75 = vector.multi_reduction <add>, %mul3A_73, %reduce_sum3A_74 [1] : vector<512x128xf32> to vector<512xf32>
    %broadcast_in_dim3A_76 = vector.shape_cast %reduce_sum3A_75 : vector<512xf32> to vector<512x1xf32>
    %mul3A_77 = arith.mulf %get3A_70, %get3A_70 : vector<320x128xf32>
    %reduce_sum3A_78 = arith.constant dense<0.000000e+00> : vector<320xf32>
    %reduce_sum3A_79 = vector.multi_reduction <add>, %mul3A_77, %reduce_sum3A_78 [1] : vector<320x128xf32> to vector<320xf32>
    %broadcast_in_dim3A_80 = vector.shape_cast %reduce_sum3A_79 : vector<320xf32> to vector<1x320xf32>
    %mul3A_81 = arith.constant 2.000000e+00 : f32
    %mul3A_82 = vector.broadcast %mul3A_81 : f32 to vector<512x320xf32>
    %mul3A_83 = arith.mulf %mul3A_82, %dot_general3A_72 : vector<512x320xf32>
    %sub3A_84 = vector.broadcast %broadcast_in_dim3A_76 : vector<512x1xf32> to vector<512x320xf32>
    %sub3A_85 = arith.subf %sub3A_84, %mul3A_83 : vector<512x320xf32>
    %add3A_86 = vector.broadcast %broadcast_in_dim3A_80 : vector<1x320xf32> to vector<512x320xf32>
    %add3A_87 = arith.addf %sub3A_85, %add3A_86 : vector<512x320xf32>
    %swap3A_88 = arith.constant 1 : index
    %swap3A_89 = arith.constant 0 : index
    %swap3A_90 = arith.constant 0 : index
    %swap3A_91 = vector.load %arg5[%swap3A_88, %swap3A_89, %swap3A_90] : memref<2x512x320xf32, #tpu.memory_space<vmem>>, vector<1x512x320xf32>
    %swap3A_92 = vector.shape_cast %swap3A_91 : vector<1x512x320xf32> to vector<512x320xf32>
    %swap3A_93 = vector.shape_cast %add3A_87 : vector<512x320xf32> to vector<1x512x320xf32>
    tpu.vector_store %arg5[%swap3A_88, %swap3A_89, %swap3A_90], %swap3A_93 {strides = array<i32>} : memref<2x512x320xf32, #tpu.memory_space<vmem>>, vector<1x512x320xf32>,
    %reduce_min3A_94 = arith.constant dense<0x7F800000> : vector<512xf32>
    %reduce_min3A_95 = vector.multi_reduction <minimumf>, %add3A_87, %reduce_min3A_94 [1] : vector<512x320xf32> to vector<512xf32>
    %broadcast_in_dim3A_96 = vector.shape_cast %reduce_min3A_95 : vector<512xf32> to vector<512x1xf32>
    %eq3A_97 = vector.broadcast %broadcast_in_dim3A_96 : vector<512x1xf32> to vector<512x320xf32>
    %eq3A_98 = arith.cmpf oeq, %add3A_87, %eq3A_97 : vector<512x320xf32>
    %jit3A_99 = arith.constant 320 : i32
    %broadcast_in_dim3A_100 = vector.broadcast %jit3A_99 : i32 to vector<512x320xi32>
    %select_n3A_101 = arith.select %eq3A_98, %iota3A, %broadcast_in_dim3A_100 : vector<512x320xi1>, vector<512x320xi32>
    %reduce_min3A_102 = arith.constant dense<2147483647> : vector<512xi32>
    %reduce_min3A_103 = vector.multi_reduction <minsi>, %select_n3A_101, %reduce_min3A_102 [1] : vector<512x320xi32> to vector<512xi32>
    %broadcast_in_dim3A_104 = vector.shape_cast %reduce_min3A_103 : vector<512xi32> to vector<512x1xi32>
    %eq3A_105 = vector.broadcast %broadcast_in_dim3A_104 : vector<512x1xi32> to vector<512x320xi32>
    %eq3A_106 = arith.cmpi eq, %iota3A, %eq3A_105 : vector<512x320xi32>
    %convert_element_type3A_107 = arith.extui %eq3A_106 : vector<512x320xi1> to vector<512x320xi32>
    %convert_element_type3A_108 = arith.sitofp %convert_element_type3A_107 : vector<512x320xi32> to vector<512x320xf32>
    %swap3A_109 = arith.constant 1 : index
    %swap3A_110 = arith.constant 0 : index
    %swap3A_111 = arith.constant 0 : index
    %swap3A_112 = vector.load %arg6[%swap3A_109, %swap3A_110, %swap3A_111] : memref<2x512x320xf32, #tpu.memory_space<vmem>>, vector<1x512x320xf32>
    %swap3A_113 = vector.shape_cast %swap3A_112 : vector<1x512x320xf32> to vector<512x320xf32>
    %swap3A_114 = vector.shape_cast %convert_element_type3A_108 : vector<512x320xf32> to vector<1x512x320xf32>
    tpu.vector_store %arg6[%swap3A_109, %swap3A_110, %swap3A_111], %swap3A_114 {strides = array<i32>} : memref<2x512x320xf32, #tpu.memory_space<vmem>>, vector<1x512x320xf32>,
    %convert_element_type3A_115 = arith.truncf %convert_element_type3A_108 : vector<512x320xf32> to vector<512x320xbf16>
    %convert_element_type3A_116 = arith.truncf %get3A_70 : vector<320x128xf32> to vector<320x128xbf16>
    %convert_element_type3A_117 = arith.extf %convert_element_type3A_116 : vector<320x128xbf16> to vector<320x128xf32>
    %sub3A_118 = arith.subf %get3A_70, %convert_element_type3A_117 : vector<320x128xf32>
    %convert_element_type3A_119 = arith.truncf %sub3A_118 : vector<320x128xf32> to vector<320x128xbf16>
    %dot_general3A_120 = arith.constant dense<0.000000e+00> : vector<512x128xf32>
    %dot_general3A_121 = tpu.matmul %convert_element_type3A_115, %convert_element_type3A_116, %dot_general3A_120 {dimension_numbers = #tpu.dot_dimension_numbers<[1], [0], [0], [1], [0, 0, 1, 1], [], []>, transpose_lhs_hint = false} : vector<512x320xbf16>, vector<320x128xbf16>, vector<512x128xf32> -> vector<512x128xf32>
    %dot_general3A_122 = arith.constant dense<0.000000e+00> : vector<512x128xf32>
    %dot_general3A_123 = tpu.matmul %convert_element_type3A_115, %convert_element_type3A_119, %dot_general3A_122 {dimension_numbers = #tpu.dot_dimension_numbers<[1], [0], [0], [1], [0, 0, 1, 1], [], []>, transpose_lhs_hint = false} : vector<512x320xbf16>, vector<320x128xbf16>, vector<512x128xf32> -> vector<512x128xf32>
    %add3A_124 = arith.addf %dot_general3A_121, %dot_general3A_123 : vector<512x128xf32>
    %swap3A_125 = arith.constant 0 : index
    %swap3A_126 = arith.constant 128 : index
    %swap3A_127 = vector.load %arg7[%swap3A_125, %swap3A_126] : memref<512x256xf32, #tpu.memory_space<vmem>>, vector<512x128xf32>
    tpu.vector_store %arg7[%swap3A_125, %swap3A_126], %add3A_124 {strides = array<i32>} : memref<512x256xf32, #tpu.memory_space<vmem>>, vector<512x128xf32>,
    %reduce_sum3A_128 = arith.constant dense<0.000000e+00> : vector<320xf32>
    %reduce_sum3A_129 = vector.multi_reduction <add>, %convert_element_type3A_108, %reduce_sum3A_128 [0] : vector<512x320xf32> to vector<320xf32>
    %broadcast_in_dim3A_130 = vector.shape_cast %reduce_sum3A_129 : vector<320xf32> to vector<1x320xf32>
    %concatenate3A = tpu.concatenate %broadcast_in_dim3A_64, %broadcast_in_dim3A_130 in 0 : vector<1x320xf32>, vector<1x320xf32> -> vector<2x320xf32>
    %swap3A_131 = arith.constant 0 : index
    %swap3A_132 = arith.constant 0 : index
    %swap3A_133 = arith.constant 0 : index
    %swap3A_134 = vector.load %arg8[%swap3A_131, %swap3A_132, %swap3A_133] : memref<1x2x320xf32, #tpu.memory_space<vmem>>, vector<1x2x320xf32>
    %swap3A_135 = vector.shape_cast %swap3A_134 : vector<1x2x320xf32> to vector<2x320xf32>
    %swap3A_136 = vector.shape_cast %concatenate3A : vector<2x320xf32> to vector<1x2x320xf32>
    tpu.vector_store %arg8[%swap3A_131, %swap3A_132, %swap3A_133], %swap3A_136 {strides = array<i32>} : memref<1x2x320xf32, #tpu.memory_space<vmem>>, vector<1x2x320xf32>,
    return
  }
  func.func @transform_0(%arg0: i32) -> (i32, i32) {
    %c0_i32 = arith.constant 0 : i32
    %c0_i32_0 = arith.constant 0 : i32
    return %arg0, %c0_i32 : i32, i32
  }
  func.func @transform_1(%arg0: i32) -> (i32, i32) {
    %c0_i32 = arith.constant 0 : i32
    %c0_i32_0 = arith.constant 0 : i32
    %c0_i32_1 = arith.constant 0 : i32
    return %c0_i32, %c0_i32_0 : i32, i32
  }
  func.func @transform_2(%arg0: i32) -> (i32, i32) {
    %c0_i32 = arith.constant 0 : i32
    %c0_i32_0 = arith.constant 0 : i32
    %c0_i32_1 = arith.constant 0 : i32
    return %c0_i32, %c0_i32_0 : i32, i32
  }
  func.func @transform_3(%arg0: i32) -> (i32, i32, i32) {
    %c0_i32 = arith.constant 0 : i32
    %c0_i32_0 = arith.constant 0 : i32
    %c0_i32_1 = arith.constant 0 : i32
    %c0_i32_2 = arith.constant 0 : i32
    return %c0_i32, %c0_i32_0, %c0_i32_1 : i32, i32, i32
  }
  func.func @transform_4(%arg0: i32) -> (i32, i32, i32) {
    %c0_i32 = arith.constant 0 : i32
    %c0_i32_0 = arith.constant 0 : i32
    %c0_i32_1 = arith.constant 0 : i32
    return %c0_i32, %arg0, %c0_i32_0 : i32, i32, i32
  }
  func.func @transform_5(%arg0: i32) -> (i32, i32, i32) {
    %c0_i32 = arith.constant 0 : i32
    %c0_i32_0 = arith.constant 0 : i32
    %c0_i32_1 = arith.constant 0 : i32
    return %c0_i32, %arg0, %c0_i32_0 : i32, i32, i32
  }
  func.func @transform_6(%arg0: i32) -> (i32, i32) {
    %c0_i32 = arith.constant 0 : i32
    %c0_i32_0 = arith.constant 0 : i32
    return %arg0, %c0_i32 : i32, i32
  }
  func.func @transform_7(%arg0: i32) -> (i32, i32, i32) {
    %c0_i32 = arith.constant 0 : i32
    %c0_i32_0 = arith.constant 0 : i32
    %c0_i32_1 = arith.constant 0 : i32
    return %arg0, %c0_i32, %c0_i32_0 : i32, i32, i32
  }
}

</mosaic_0001>

<sc_bundles>
// kernel: sparse-core-data-format-call.1.cloned.1.call-start
scs
called_computation.1_lowered:
.L_overlay_start_0:
0x0: {  	s2 =	sld [smem:$0x3FD9]  }
0x1: {  	s3 =	sld [smem:$0x3FFE];
	_ =	sdelay $0x1  }
0x2: {  	s1 =	srdreg.scid  }
0x3: {  	s0 =	sand.u32 $0x1, s1  }
0x4: {  	s15 =	sshll.u32 s0, $0xA;
	s2 =	sadd.s32 s3, s2  }
0x5: {  	s2 =	sadd.s32 s2, s15  }
0x6: {  	[smem:$0x3FC4] =	sst s2  }
0x7: {  	_ = 	snop  }
0x8: {  	s2 =	sld [smem:$0x3FD0];
	_ =	sdelay $0x2  }
0x9: {  	s16 =	simm.s32 $0xB;
	s4 =	simm.s32 $0x10  }
0xa: {  	[smem:s4], [sflag:s16] =	dma.local [hbm:s2], $0x1  }
0xb: {  	_ =	swait.eq [sflag:s16], $0x1  }
0xc: {  	[sflag:s16] =	ssyncset.done $0x0  }
0xd: {  	[sflag:s16] =	ssyncadd.s32 $0xFFFFFFFF  }
0xe: {  	s17 =	sld [smem:$0x11];
	(tm) =	ssettm $0x1  }
0xf: {  	s18 =	sld [smem:$0x3FFB];
	_ =	sdelay $0x3  }
0x10: {  	_ =	strace s18  }
0x11: {  	s3 =	sld [smem:$0x3FFC];
	_ =	sdelay $0x3  }
0x12: {  	_ =	strace s3  }
0x13: {  	s3 =	sld [smem:$0x3FFD];
	_ =	sdelay $0x3  }
0x14: {  	_ =	strace s3  }
0x15: {  	_ =	strace $0x8FFFFFFF  }
0x16: {  	s19 =	sld [smem:$0x3FDB];
	_ =	sdelay $0x1  }
0x17: {  	s20 =	simm.s32 $_scs_section_size  }
0x18: {  	s5 =	simm.s32 $_size__tile_overlayer_lowered;
	s6 =	simm.s32 $_tile_overlayer_lowered  }
0x19: {  	s23 =	simm.s32 $0x1BFF;
	s22 =	sshll.u32 s6, $0x1;
	s3 =	sadd.s32 s20, s19  }
0x1a: {  	s7 =	simm.s32 $0x0;
	s21 =	sshll.u32 s5, $0x1;
	s5 =	sadd.s32 s22, s3  }
0x1b: {  	[timem:s7], [sflag:s23] =	dma.local [hbm:s5], s21  }
0x1c: {  	_ =	swait.ge [sflag:s23], s21  }
0x1d: {  	s4 =	ssub.s32 $0x0, s21;
	[sflag:s23] =	ssyncset.done $0x0  }
0x1e: {  	[sflag:s23] =	ssyncadd.s32 s4;
	_ =	sdelay $0x1  }
0x1f: {  	s24 =	simm.s32 $0x1B8B  }
0x20: {  	_ =	swait.ge [sflag:s24], $0x1  }
0x21: {  	[sflag:s24] =	ssyncset.done $0x0  }
0x22: {  	s26 =	simm.s32 $0x1B8E;
	s25 =	sld [smem:$0x3FFE];
	[sflag:s24] =	ssyncadd.s32 $0xFFFFFFFF  }
0x23: {  	s27 =	simm.s32 $execute0_lowered;
	[smem:$0x3FD2] =	sst s26  }
0x24: {  	s5 =	sshll.u32 s27, $0x1;
	_ =	strace $0x80000046;
	[dreg:$0x1] =	wrdreg $0xFFFFFFFF  }
0x25: {  	s28 =	simm.s32 $_size_execute0_lowered;
	s3 =	sadd.s32 s3, s5;
	[dreg:$0x0] =	wrdreg $0x0  }
0x26: {  	s5 =	sshll.u32 s28, $0x1;
	[dreg:$0x2] =	wrdreg s3  }
0x27: {  	[dreg:$0x3] =	wrdreg s5  }
0x28: {  	[dreg:$0x4] =	wrdreg $0xC0  }
0x29: {  	_ =	task [dreg:s7], $0x5FFFF  }
0x2a: {  	[dreg:$0x1] =	wrdreg $0xFFFFFFFF  }
0x2b: {  	[dreg:$0x0] =	wrdreg $0x60  }
0x2c: {  	[dreg:$0x2] =	wrdreg s25  }
0x2d: {  	[dreg:$0x3] =	wrdreg s17  }
0x2e: {  	[dreg:$0x4] =	wrdreg $0xA  }
0x2f: {  	_ =	task.clear_ibuf [dreg:s7], $0x5FFFF;
	_ =	strace $0x90000046  }
0x30: {  	s29 =	simm.s32 $0xA;
	_ =	strace $0x80000048  }
0x31: {  	_ =	swait.ge [sflag:s29], $0x1  }
0x32: {  	[sflag:s29] =	ssyncadd.s32 $0xFFFFFFFF  }
0x33: {  	_ =	strace $0x90000048  }
0x34: {  	_ =	sfence  }
0x35: {  	s30 =	sld [smem:$0x0];
	_ =	sdelay $0x2  }
0x36: {  	s31 =	sshll.u32 s1, $0xD;
	s1 =	sshrl.u32 s1, $0x2  }
0x37: {  	s3 =	sand.u32 $0x4000, s31;
	s1 =	sadd.s32 s1, s30  }
0x38: {  	s0 =	sor.u32 s3, s0;
	s1 =	sshll.u32 s1, $0x11  }
0x39: {  	s0 =	sor.u32 s1, s0  }
0x3a: {  	s0 =	sadd.s32 $0x8F2B, s0  }
0x3b: {  	[sflag:s0] =	ssyncadd.remote.s32 $0x1  }
0x3c: {  	_ =	sfence.sel $0xFFFF  }
0x3d: {  	[dreg:$0x0] =	wrdreg $0xFFFFFFFF;
	(pc) =	sbr.abs _section_cstart, $3  }
0x3e: {  	[dreg:$0x1] =	wrdreg $0xFFFFFFFF  }
0x3f: {  	_ =	task.clear_ibuf [dreg:s7], $0x2FFFF;
	_ =	strace $0x9FFFFFFF  }
0x40: {  	(tm) =	ssettm $0x7FFFFFFF  }
0x41: {  	_ =	shalt  }
tec
execute0_lowered:
.L_overlay_start_1:
0x0: {  	(tag) =	ssettag $0x1  }
0x1: {  	s4 =	rddreg [dreg:$0x0]  }
0x2: {  	s2 =	rddreg [dreg:$0x1];
	s1 =	stileid.u32;
	_ =	strace $0x80000047  }
0x3: {  	s5 =	srdreg.scid;
	s8 =	simm.s32 $0x2;
	s20 =	simm.s32 $0x0  }
0x4: {  	p0 =	por $0x0, $0x0;
	s9 =	simm.s32 $0x2000;
	s19 =	simm.s32 $0x0  }
0x5: {  	s21 =	simm.s32 $0x0;
	s22 =	simm.s32 $0x0;
	s10 =	simm.s32 $0x0  }
0x6: {  	s11 =	simm.s32 $0x0;
	s12 =	simm.s32 $0x0;
	s13 =	simm.s32 $0x0  }
0x7: {  	s14 =	simm.s32 $0x0;
	s15 =	simm.s32 $0x0;
	s3 =	sand.u32 $0x1, s1  }
0x8: {  	s18 =	simm.s32 $0x0;
	s5 =	sshll.u32 s5, $0x4;
	s6 =	ssub.s32 $0x2, s3  }
.Ltmp0:
0x9: {  	s7 =	sshrl.u32 s6, $0x1;
	s6 =	sand.u32 $0x1, s6;
	(pc) =	sbr.rel .LBB1_1-.Ltmp0, $4  }
0xa: {  	s4 =	sadd.s32 $0x1400, s4;
	s5 =	sand.u32 $0x10, s5;
	s6 =	sadd.s32 s6, s7  }
0xb: {  	s31 =	sor.u32 s1, s5;
	s5 =	simm.s32 $0x1;
	s6 =	smul.u32 $0x18, s6  }
0xc: {  	s17 =	smov.u32 s3;
	s7 =	sshrl.u32 s31, $0x1;
	[sflag:s5] =	ssyncpa.u1 $0x0  }
0xd: {  	[sflag:s8] =	ssyncpa.u1 $0x0;
	s16 =	smov.u32 s7;
	s8 =	sor.u32 $0x1, s6  }
.LBB1_4:
0xe: {  	s27 =	sshra.s32 s27, $0x2  }
0xf: {  	s28 =	sshll.u32 s10, $0xA;
	p1 =	sgt.s32 s13, $0x1;
	s29 =	smov.u32 s13  }
0x10: {  	s30 =	sshra.s32 s13, $0x1F;
	s31 =	smov.u32 s12;
	s0 =	sshra.s32 s12, $0x1F  }
0x11: {  	s26 =	sadd.s32 s27, s26;
	s27 =	sand.u32 $0xFFFFE000, s28;
	s28 =	sshll.u32 s11, $0x3  }
0x12: {  	s29 =	simm.s32 @!p1 $0x1;
	s30 =	sand.u32 s30, s13;
	p1 =	sgt.s32 s12, $0xF  }
0x13: {  	s0 =	sand.u32 s0, s12;
	s28 =	sand.u32 $0xFFFFFC00, s28;
	s30 =	sxor.u32 $0xFFFFFFFF, s30  }
0x14: {  	s31 =	simm.s32 @!p1 $0xF;
	s27 =	sadd.s32 s28, s27;
	s29 =	sadd.s32 s30, s29  }
0x15: {  	s0 =	ssub.s32 s31, s0;
	s31 =	sshra.s32 s10, $0x1F;
	p1 =	sgt.s32 s29, $0x0  }
0x16: {  	s28 =	ssub.s32 $0x1, s29;
	s30 =	sadd.s32 $0xFFFFFFF1, s0;
	s0 =	ssub.s32 $0x10, s0  }
0x17: {  	s27 =	sshrl.u32 s27, $0xA;
	s28 =	simm.s32 @p1 $0x0;
	p1 =	sgt.s32 s30, $0x0  }
0x18: {  	v5 =	vld [tilespmem:s24+$0xFFFFFFD0];
	s29 =	smov.u32 s11;
	s30 =	smov.u32 s10;
	s0 =	simm.s32 @p1 $0x0  }
0x19: {  	v58 =	vld [tilespmem:s24+$0xFFFFFFE0];
	p1 =	sgt.s32 s11, $0x380;
	s0 =	smul.u32 s28, s0;
	s28 =	sshra.s32 s11, $0x1F  }
0x1a: {  	[tilespmem:s25+$0x2040 ss:$0x81] =	vst.msk $0xffff, v4;
	v59 =	vld [tilespmem:s24+$0xFFFFFFF0];
	s29 =	simm.s32 @!p1 $0x380;
	p1 =	sgt.s32 s10, $0xC0;
	s28 =	sand.u32 s28, s11  }
0x1b: {  	[tilespmem:s25+$0x2850 ss:$0x81] =	vst.msk $0xffff, v3;
	v60 =	vld [tilespmem:s24+$0x0];
	s31 =	sand.u32 s31, s10;
	s30 =	simm.s32 @!p1 $0xC0;
	s28 =	ssub.s32 s29, s28  }
0x1c: {  	[tilespmem:s25+$0x3060 ss:$0x81] =	vst.msk $0xffff, v2;
	v61 =	vld [tilespmem:s24+$0x10];
	s29 =	smulhi.u32 $0xCCCCCD, s27;
	s30 =	ssub.s32 s30, s31;
	s31 =	sadd.s32 $0xFFFFFC80, s28  }
0x1d: {  	[tilespmem:s25+$0x0 ss:$0x81] =	vst.msk $0xffff, v0;
	s25 =	sand.u32 $0x78, s11;
	v62 =	vld [tilespmem:s24+$0x20];
	s28 =	ssub.s32 $0x400, s28;
	p1 =	sgt.s32 s31, $0x7F  }
0x1e: {  	v63 =	vld [tilespmem:s24+$0xFFFFFFC0];
	[tilespmem:s26+$0x3870 ss:$0x81] =	vst.msk $0xffff, v1;
	s24 =	ssub.s32 $0x140, s30;
	s29 =	smul.u32 $0x140, s29;
	s28 =	simm.s32 @p1 $0x0  }
0x1f: {  	[tilespmem:s26+$0x810 ss:$0x81] =	vst.msk $0xffff, v5;
	s31 =	sshll.u32 s10, $0x7;
	s0 =	smul.u32 s28, s0;
	s28 =	sadd.s32 $0xFFFFFF40, s30  }
0x20: {  	[tilespmem:s26+$0x1020 ss:$0x81] =	vst.msk $0xffff, v58;
	s31 =	sand.u32 $0x380, s31;
	p1 =	sgt.s32 s28, $0x7F;
	s28 =	smul.u32 $0xA0000, s13  }
0x21: {  	[tilespmem:s26+$0x1830 ss:$0x81] =	vst.msk $0xffff, v59;
	s25 =	sor.u32 s25, s31;
	s31 =	smul.u32 $0xA000, s12;
	s27 =	ssub.s32 s27, s29  }
0x22: {  	[tilespmem:s26+$0x2040 ss:$0x81] =	vst.msk $0xffff, v60;
	s30 =	sand.u32 $0x7, s11;
	s24 =	simm.s32 @p1 $0x0;
	s29 =	sadd.s32 s2, s28  }
0x23: {  	[tilespmem:s26+$0x2850 ss:$0x81] =	vst.msk $0xffff, v61;
	s25 =	sshrl.u32 s25, $0x3;
	s0 =	smul.u32 s24, s0;
	s24 =	sadd.s32 s31, s29  }
0x24: {  	[tilespmem:s26+$0x3060 ss:$0x81] =	vst.msk $0xffff, v62;
	s27 =	sshll.u32 s27, $0x7;
	s31 =	sshll.u32 s30, $0x12;
	s24 =	sadd.s32 s25, s24  }
0x25: {  	[tilespmem:s26+$0x0 ss:$0x81] =	vst.msk $0xffff, v63;
	s0 =	sand.u32 $0x3FFFFFFF, s0;
	s25 =	sor.u32 $0x400, s31;
	s24 =	sadd.s32 s27, s24  }
0x26: {  	[hbm4b:s24+s25] =	stream.strided.scatter [tilespmem:s23], [sflag:$0x2], s0, s9, s25, $0x20;
	[tilespmem:$0x10100] =	vst v63  }
.LBB1_5:
0x27: {  	p1 =	slt.u32 s18, $0x2  }
0x28: {  	s23 =	smov.u32 s22;
	s24 =	smov.u32 s15;
	s25 =	smov.u32 s16  }
0x29: {  	s26 =	smov.u32 s17;
	p2 =	sgt.s32 @!p1 s22, $0x1;
	s0 =	sshra.s32 @!p1 s22, $0x1F  }
0x2a: {  	p0 =	por !p0, !p0;
	p2 =	por !p2, p1;
	s0 =	sand.u32 @!p1 s0, s22  }
0x2b: {  	p4 =	sgt.s32 @!p1 s19, $0x380;
	s23 =	simm.s32 @p2 $0x1;
	s0 =	sxor.u32 @!p1 $0xFFFFFFFF, s0  }
0x2c: {  	s22 =	smov.u32 s21;
	p2 =	sgt.s32 @!p1 s21, $0xF;
	s0 =	sadd.s32 @!p1 s0, s23  }
0x2d: {  	p2 =	por !p2, p1;
	s23 =	sshra.s32 @!p1 s21, $0x1F;
	p3 =	sgt.s32 @!p1 s0, $0x0  }
0x2e: {  	s22 =	simm.s32 @p2 $0xF;
	s21 =	sand.u32 @!p1 s23, s21;
	s0 =	ssub.s32 @!p1 $0x1, s0  }
0x2f: {  	s23 =	smov.u32 s20;
	p2 =	por !p3, p1;
	s21 =	ssub.s32 @!p1 s22, s21  }
0x30: {  	s0 =	simm.s32 @!p2 $0x0;
	s22 =	sadd.s32 @!p1 $0xFFFFFFF1, s21;
	p2 =	sgt.s32 @!p1 s20, $0xC0  }
0x31: {  	s21 =	ssub.s32 @!p1 $0x10, s21;
	p3 =	sgt.s32 @!p1 s22, $0x0;
	s22 =	sshra.s32 @!p1 s20, $0x1F  }
0x32: {  	p2 =	por !p2, p1;
	s20 =	sand.u32 @!p1 s22, s20;
	s22 =	sshra.s32 @!p1 s19, $0x1F  }
0x33: {  	s23 =	simm.s32 @p2 $0xC0;
	p2 =	por !p4, p1;
	p3 =	por !p3, p1  }
0x34: {  	s22 =	sand.u32 @!p1 s22, s19;
	s19 =	simm.s32 @p2 $0x380;
	s21 =	simm.s32 @!p3 $0x0  }
0x35: {  	s20 =	ssub.s32 @!p1 s23, s20;
	s23 =	sadd.s32 $0x80, s14;
	s19 =	ssub.s32 @!p1 s19, s22  }
0x36: {  	s0 =	smul.u32 @!p1 s0, s21;
	s21 =	sadd.s32 @!p1 $0xFFFFFF40, s20;
	s22 =	sadd.s32 @!p1 $0xFFFFFC80, s19  }
0x37: {  	s20 =	ssub.s32 @!p1 $0x140, s20;
	p2 =	sgt.s32 @!p1 s21, $0x7F;
	p3 =	sgt.s32 @!p1 s22, $0x7F  }
0x38: {  	s19 =	ssub.s32 @!p1 $0x400, s19;
	s21 =	sadd.s32 $0x80, s15;
	p3 =	por !p3, p1  }
0x39: {  	p2 =	por !p2, p1;
	s19 =	simm.s32 @!p3 $0x0;
	p3 =	sgt.s32 s23, $0x13F  }
0x3a: {  	s27 =	simm.s32 @!p1 $0x2;
	s20 =	simm.s32 @!p2 $0x0;
	s24 =	smov.u32 @p3 s21  }
0x3b: {  	s0 =	smul.u32 @!p1 s19, s0;
	s19 =	sadd.s32 $0x10, s16;
	p2 =	sgt.s32 s24, $0x3FF  }
0x3c: {  	s22 =	smov.u32 s13;
	s13 =	smov.u32 s17;
	s25 =	smov.u32 @p2 s19  }
0x3d: {  	s23 =	simm.s32 @p3 $0x0;
	s19 =	sadd.s32 $0x2, s17;
	p3 =	sgt.s32 s25, $0xF  }
0x3e: {  	s21 =	smov.u32 s12;
	s12 =	smov.u32 s16;
	s26 =	smov.u32 @p3 s19  }
0x3f: {  	s0 =	smul.u32 @!p1 s20, s0;
	s24 =	simm.s32 @p2 $0x0;
	p2 =	sgt.s32 s26, $0x1  }
0x40: {  	s20 =	smov.u32 s10;
	s26 =	smov.u32 @p2 s3;
	p2 =	sne.s32 s18, s8  }
.Ltmp1:
0x41: {  	s10 =	smov.u32 s14;
	s14 =	smov.u32 s23;
	(pc) =	sbr.rel @!p2 .LBB1_6-.Ltmp1, $4  }
0x42: {  	s0 =	sand.u32 @!p1 $0x3FFFFFFF, s0;
	s25 =	smov.u32 @p3 s7;
	s19 =	smov.u32 s11  }
0x43: {  	s11 =	smov.u32 s15;
	s15 =	smov.u32 s24;
	_ =	swait.ge @!p1 [sflag:s27], s0  }
0x44: {  	s0 =	ssub.s32 @!p1 $0x0, s0;
	s16 =	smov.u32 s25;
	[sflag:s27] =	ssyncset.done @!p1 $0x0  }
0x45: {  	s18 =	sadd.s32 $0x1, s18;
	[sflag:s27] =	ssyncadd.s32 @!p1 s0;
	s17 =	smov.u32 s26  }
.LBB1_1:
0x46: {  	p1 =	sge.u32 s18, s6  }
0x47: {  	s23 =	sshrl.u32 @!p1 s15, $0x3  }
0x48: {  	s24 =	sshll.u32 @!p1 s14, $0x3;
	s23 =	smul.u32 @!p1 $0xC00, s23  }
0x49: {  	s25 =	sshll.u32 @!p1 s15, $0x7;
	s24 =	sand.u32 @!p1 $0xFFFFFC00, s24  }
0x4a: {  	s23 =	sadd.s32 @!p1 s23, s24;
	s24 =	sand.u32 @!p1 $0x380, s25  }
0x4b: {  	s25 =	sand.u32 @!p1 $0x7F, s14;
	s23 =	sor.u32 @!p1 s24, s23  }
0x4c: {  	s24 =	sor.u32 @!p1 s25, s23  }
0x4d: {  	s25 =	smulhi.u32 @!p1 $0xAAAAAAAB, s24  }
0x4e: {  	s23 =	smulhi.u32 @!p1 $0xAAAAAAAB, s23  }
0x4f: {  	s31 =	sadd.s32 $0xFFFFFFFF, s18;
	s27 =	smul.u32 @!p1 $0xC0000, s17;
	s25 =	sshrl.u32 @!p1 s25, $0x8  }
0x50: {  	s26 =	sxor.u32 @!p1 $0xFFFFFFFF, s18;
	s23 =	sshrl.u32 @!p1 s23, $0x8;
	s25 =	smul.u32 @!p1 $0x180, s25  }
0x51: {  	s28 =	smul.u32 @!p1 $0xC000, s16;
	s26 =	sshll.u32 @!p1 s26, $0xE;
	s23 =	sand.u32 @!p1 $0x3FF, s23  }
0x52: {  	s23 =	smul.u32 @!p1 $0x30, s23;
	s24 =	ssub.s32 @!p1 s24, s25;
	s25 =	sadd.s32 @!p1 s4, s27  }
0x53: {  	s26 =	sand.u32 @!p1 $0x4000, s26;
	s25 =	sadd.s32 @!p1 s28, s25;
	s27 =	sand.u32 @!p1 $0x7, s24  }
0x54: {  	s24 =	sshrl.u32 @!p1 s24, $0x3;
	s23 =	sadd.s32 @!p1 s23, s25;
	s25 =	sshll.u32 @!p1 s27, $0x12  }
0x55: {  	s23 =	sadd.s32 @!p1 s24, s23;
	s24 =	sor.u32 @!p1 $0x400, s25;
	s25 =	simm.s32 @!p1 $0xC00  }
0x56: {  	[tilespmem:s26], [sflag:$0x1] =	stream.strided.gather @!p1 [hbm4b:s23+s24], $0x4000, s25, s24, $0x38;
	[tilespmem:$0x10100] =	vst v63  }
0x57: {  	p1 =	sge.u32 s31, s6  }
.Ltmp2:
0x58: {  	_ = 	snop;
	(pc) =	sbr.rel @p1 .LBB1_5-.Ltmp2, $1  }
0x59: {  	_ =	sdelay $0x3  }
0x5a: {  	s23 =	simm.s32 $0x1  }
0x5b: {  	_ =	swait.ge [sflag:s5], $0x4000;
	s23 =	simm.s32 @!p0 $0x0  }
0x5c: {  	[sflag:s5] =	ssyncset.done $0x0;
	s24 =	sshll.u32 s23, $0xE  }
0x5d: {  	[sflag:s5] =	ssyncadd.s32 $0xFFFFC000;
	s24 =	sor.u32 $0x40, s24  }
0x5e: {  	s23 =	smul.u32 $0x10200, s23;
	v0 =	vld [tilespmem:s24+$0x30]  }
0x5f: {  	v1 =	vld [tilespmem:s24+$0xFFFFFFD0]  }
0x60: {  	s23 =	sshrl.u32 s23, $0x2;
	v5 =	vld [tilespmem:s24+$0xFFFFFFE0]  }
0x61: {  	v6 =	vld [tilespmem:s24+$0xFFFFFFF0];
	s26 =	sor.u32 $0x8000, s23  }
0x62: {  	s31 =	sand.u32 $0x1, s18;
	v4 =	vld [tilespmem:s24+$0x0];
	s25 =	sadd.s32 $0x0, s26  }
0x63: {  	v3 =	vld [tilespmem:s24+$0x10];
	s23 =	smul.u32 $0x10200, s31;
	[tilespmem:s25+$0x3870 ss:$0x81] =	vst.msk $0xffff, v0  }
0x64: {  	v2 =	vld [tilespmem:s24+$0x20];
	[tilespmem:s25+$0x810 ss:$0x81] =	vst.msk $0xffff, v1  }
0x65: {  	s23 =	sshrl.u32 s23, $0x2;
	v0 =	vld [tilespmem:s24+$0xFFFFFFC0];
	[tilespmem:s25+$0x1020 ss:$0x81] =	vst.msk $0xffff, v5;
	s24 =	sadd.s32 $0x80, s24  }
0x66: {  	s27 =	simm.s32 $0x4;
	s28 =	simm.s32 $0x8;
	s23 =	sor.u32 $0x8000, s23;
	[tilespmem:s25+$0x1830 ss:$0x81] =	vst.msk $0xffff, v6;
	v1 =	vld [tilespmem:s24+$0x30]  }
.LBB1_3:
0x67: {  	p1 =	sne.s32 s28, $0x1FC;
	v5 =	vld [tilespmem:s24+$0xFFFFFFD0];
	[tilespmem:s25+$0x2040 ss:$0x81] =	vst.msk $0xffff, v4  }
0x68: {  	v6 =	vld [tilespmem:s24+$0xFFFFFFE0];
	[tilespmem:s25+$0x2850 ss:$0x81] =	vst.msk $0xffff, v3  }
0x69: {  	s29 =	sshra.s32 s27, $0x2;
	s27 =	smov.u32 s28;
	v7 =	vld [tilespmem:s24+$0xFFFFFFF0];
	[tilespmem:s25+$0x3060 ss:$0x81] =	vst.msk $0xffff, v2  }
.Ltmp3:
0x6a: {  	v4 =	vld [tilespmem:s24+$0x0];
	[tilespmem:s25+$0x0 ss:$0x81] =	vst.msk $0xffff, v0;
	s25 =	sadd.s32 s29, s26;
	(pc) =	sbr.rel @p1 .LBB1_3-.Ltmp3, $4  }
0x6b: {  	v3 =	vld [tilespmem:s24+$0x10];
	[tilespmem:s25+$0x3870 ss:$0x81] =	vst.msk $0xffff, v1  }
0x6c: {  	[tilespmem:s25+$0x810 ss:$0x81] =	vst.msk $0xffff, v5;
	v2 =	vld [tilespmem:s24+$0x20]  }
0x6d: {  	v0 =	vld [tilespmem:s24+$0xFFFFFFC0];
	[tilespmem:s25+$0x1020 ss:$0x81] =	vst.msk $0xffff, v6;
	s24 =	sadd.s32 $0x80, s24  }
0x6e: {  	s28 =	sadd.s32 $0x4, s28;
	v1 =	vld [tilespmem:s24+$0x30];
	[tilespmem:s25+$0x1830 ss:$0x81] =	vst.msk $0xffff, v7  }
.Ltmp4:
0x6f: {  	_ = 	snop;
	(pc) =	sbr.rel .LBB1_4-.Ltmp4, $1  }
0x70: {  	_ =	sdelay $0x3  }
.LBB1_6:
0x71: {  	_ =	sfence.sel $0x180000  }
0x72: {  	s0 =	simm.s32 $0x1;
	[bflag:$0x0] =	sbarrier.arrive $0xFFFF  }
0x73: {  	s31 =	simm.s32 $0x2;
	[sflag:s0] =	ssyncpa.u1 $0x1  }
0x74: {  	[sflag:s31] =	ssyncpa.u1 $0x1  }
0x75: {  	_ =	strace $0x90000047  }
0x76: {  	[bflag:$0x2] =	sbarrier.arrive $0xFFFF  }
0x77: {  	p0 =	sne.s32 s1, $0x0;
	s0 =	rddreg [dreg:$0x2]  }
0x78: {  	s0 =	sadd.s32 @!p0 $0x100000, s0  }
0x79: {  	[sflag:s0] =	ssyncadd.tile.s32 @!p0 $0x1;
	_ =	shalt  }
.Lfunc_end1:
_tile_overlayer_lowered:
.L_overlay_start_2:
0x7a: {  	(tag) =	ssettag $0x2  }
0x7b: {  	s0 =	rddreg [dreg:$0x0];
	s2 =	stileid.u32  }
0x7c: {  	s1 =	rddreg [dreg:$0x1];
	p0 =	sne.s32 s2, $0x0  }
0x7d: {  	s3 =	rddreg [dreg:$0x2];
	[bflag:$0x3] =	sbarrier.arrive $0xFFFF;
	s2 =	simm.s32 @!p0 $0x1C01  }
0x7e: {  	[timem:s3], [sflag:s2] =	dma.local @!p0 [hbm:s0], s1  }
0x7f: {  	s0 =	simm.s32 @!p0 $0x1  }
0x80: {  	_ =	swait.ge @!p0 [sflag:s0], s1  }
0x81: {  	s1 =	ssub.s32 @!p0 $0x0, s1;
	[sflag:s0] =	ssyncset.done @!p0 $0x0  }
0x82: {  	[sflag:s0] =	ssyncadd.s32 @!p0 s1  }
0x83: {  	[bflag:$0x3] =	sbarrier.arrive $0xFFFF  }
0x84: {  	_ =	shalt  }

// kernel: sparse-core-data-format-call.cloned.1.call-start
scs
called_computation_lowered:
.L_overlay_start_0:
0x0: {  	s2 =	sld [smem:$0x3FD9]  }
0x1: {  	s3 =	sld [smem:$0x3FFE];
	_ =	sdelay $0x1  }
0x2: {  	s1 =	srdreg.scid  }
0x3: {  	s0 =	sand.u32 $0x1, s1  }
0x4: {  	s16 =	sshll.u32 s0, $0xA;
	s2 =	sadd.s32 s3, s2  }
0x5: {  	s2 =	sadd.s32 s2, s16  }
0x6: {  	[smem:$0x3FC4] =	sst s2  }
0x7: {  	_ = 	snop  }
0x8: {  	s2 =	sld [smem:$0x3FD0];
	_ =	sdelay $0x2  }
0x9: {  	s17 =	simm.s32 $0xB;
	s4 =	simm.s32 $0x10  }
0xa: {  	[smem:s4], [sflag:s17] =	dma.local [hbm:s2], $0x1  }
0xb: {  	_ =	swait.eq [sflag:s17], $0x1  }
0xc: {  	[sflag:s17] =	ssyncset.done $0x0  }
0xd: {  	[sflag:s17] =	ssyncadd.s32 $0xFFFFFFFF  }
0xe: {  	s18 =	sld [smem:$0x12];
	(tm) =	ssettm $0x1  }
0xf: {  	s19 =	sld [smem:$0x3FFB];
	_ =	sdelay $0x3  }
0x10: {  	_ =	strace s19  }
0x11: {  	s2 =	sld [smem:$0x3FFC];
	_ =	sdelay $0x3  }
0x12: {  	_ =	strace s2  }
0x13: {  	s2 =	sld [smem:$0x3FFD];
	_ =	sdelay $0x3  }
0x14: {  	_ =	strace s2  }
0x15: {  	_ =	strace $0x8FFFFFFF  }
0x16: {  	s20 =	sld [smem:$0x3FDB];
	_ =	sdelay $0x1  }
0x17: {  	s21 =	simm.s32 $_scs_section_size  }
0x18: {  	s5 =	simm.s32 $_size__tile_overlayer_lowered;
	s6 =	simm.s32 $_tile_overlayer_lowered  }
0x19: {  	s7 =	simm.s32 $0x1BFF;
	s22 =	sshll.u32 s6, $0x1;
	s4 =	sadd.s32 s21, s20  }
0x1a: {  	s23 =	simm.s32 $0x0;
	s5 =	sshll.u32 s5, $0x1;
	s6 =	sadd.s32 s22, s4  }
0x1b: {  	[timem:s23], [sflag:s7] =	dma.local [hbm:s6], s5  }
0x1c: {  	_ =	swait.ge [sflag:s7], s5  }
0x1d: {  	s5 =	ssub.s32 $0x0, s5;
	[sflag:s7] =	ssyncset.done $0x0  }
0x1e: {  	[sflag:s7] =	ssyncadd.s32 s5;
	_ =	sdelay $0x1  }
0x1f: {  	s24 =	simm.s32 $0x1B8B  }
0x20: {  	_ =	swait.ge [sflag:s24], $0x1  }
0x21: {  	[sflag:s24] =	ssyncset.done $0x0  }
0x22: {  	[sflag:s24] =	ssyncadd.s32 $0xFFFFFFFF  }
0x23: {  	s5 =	sld [smem:$0x0]  }
0x24: {  	s6 =	sand.u32 $0xFFFFFFFE, s1  }
0x25: {  	p0 =	sne.s32 s1, s6  }
0x26: {  	s6 =	sshll.u32 @p0 s6, $0xE  }
0x27: {  	s6 =	sadd.s32 @p0 $0x11B8D, s6;
	s7 =	sshll.u32 @p0 s5, $0x11  }
0x28: {  	s6 =	sor.u32 @p0 s7, s6  }
0x29: {  	[sflag:s6] =	ssyncadd.remote.s32 @p0 $0x1;
	_ =	sdelay $0x1  }
0x2a: {  	s6 =	simm.s32 @p0 $0x1B8D  }
0x2b: {  	_ =	swait.eq @p0 [sflag:s6], $0x1  }
0x2c: {  	[sflag:s6] =	ssyncadd.s32 @p0 $0xFFFFFFFF  }
0x2d: {  	s7 =	sshll.u32 @!p0 s1, $0xE  }
0x2e: {  	s7 =	sor.u32 @!p0 $0x4000, s7;
	s6 =	simm.s32 @!p0 $0x1B8D  }
0x2f: {  	s5 =	sshll.u32 @!p0 s5, $0x11;
	s7 =	sadd.s32 @!p0 $0x11B8D, s7;
	_ =	swait.eq @!p0 [sflag:s6], $0x1  }
0x30: {  	s5 =	sor.u32 @!p0 s5, s7;
	[sflag:s6] =	ssyncadd.s32 @!p0 $0xFFFFFFFF  }
0x31: {  	s26 =	simm.s32 $0x1B8E;
	s25 =	sld [smem:$0x3FFE];
	[sflag:s5] =	ssyncadd.remote.s32 @!p0 $0x1  }
0x32: {  	s27 =	simm.s32 $execute0_lowered;
	[smem:$0x3FD2] =	sst s26  }
0x33: {  	s6 =	sshll.u32 s27, $0x1;
	_ =	strace $0x80000049;
	[dreg:$0x1] =	wrdreg $0xFFFFFFFF  }
0x34: {  	s28 =	simm.s32 $_size_execute0_lowered;
	s4 =	sadd.s32 s4, s6;
	[dreg:$0x0] =	wrdreg $0x0  }
0x35: {  	s6 =	sshll.u32 s28, $0x1;
	[dreg:$0x2] =	wrdreg s4  }
0x36: {  	[dreg:$0x3] =	wrdreg s6  }
0x37: {  	[dreg:$0x4] =	wrdreg $0xC0  }
0x38: {  	_ =	task [dreg:s23], $0x5FFFF  }
0x39: {  	[dreg:$0x1] =	wrdreg $0xFFFFFFFF  }
0x3a: {  	[dreg:$0x0] =	wrdreg $0x60  }
0x3b: {  	[dreg:$0x2] =	wrdreg s25  }
0x3c: {  	[dreg:$0x3] =	wrdreg s18  }
0x3d: {  	[dreg:$0x4] =	wrdreg $0x9  }
0x3e: {  	_ =	task.clear_ibuf [dreg:s23], $0x5FFFF;
	_ =	strace $0x90000049  }
0x3f: {  	s29 =	simm.s32 $0x9;
	_ =	strace $0x8000004B  }
0x40: {  	_ =	swait.ge [sflag:s29], $0x1  }
0x41: {  	[sflag:s29] =	ssyncadd.s32 $0xFFFFFFFF  }
0x42: {  	_ =	strace $0x9000004B  }
0x43: {  	_ =	sfence  }
0x44: {  	s30 =	sld [smem:$0x0];
	_ =	sdelay $0x2  }
0x45: {  	s31 =	sshll.u32 s1, $0xD;
	s1 =	sshrl.u32 s1, $0x2  }
0x46: {  	s4 =	sand.u32 $0x4000, s31;
	s1 =	sadd.s32 s1, s30  }
0x47: {  	s0 =	sor.u32 s4, s0;
	s1 =	sshll.u32 s1, $0x11  }
0x48: {  	s0 =	sor.u32 s1, s0  }
0x49: {  	s0 =	sadd.s32 $0x8F2B, s0  }
0x4a: {  	[sflag:s0] =	ssyncadd.remote.s32 $0x1  }
0x4b: {  	_ =	sfence.sel $0xFFFF  }
0x4c: {  	[dreg:$0x0] =	wrdreg $0xFFFFFFFF;
	(pc) =	sbr.abs _section_cstart, $3  }
0x4d: {  	[dreg:$0x1] =	wrdreg $0xFFFFFFFF  }
0x4e: {  	_ =	task.clear_ibuf [dreg:s23], $0x2FFFF;
	_ =	strace $0x9FFFFFFF  }
0x4f: {  	(tm) =	ssettm $0x7FFFFFFF  }
tec
execute0_lowered:
.L_overlay_start_1:
0x0: {  	(tag) =	ssettag $0x1  }
0x1: {  	s4 =	rddreg [dreg:$0x0]  }
0x2: {  	s2 =	rddreg [dreg:$0x1];
	s1 =	stileid.u32;
	_ =	strace $0x8000004A  }
0x3: {  	s5 =	srdreg.scid;
	s8 =	simm.s32 $0x2;
	s20 =	simm.s32 $0x0  }
0x4: {  	p0 =	por $0x0, $0x0;
	s9 =	simm.s32 $0x2000;
	s19 =	simm.s32 $0x0  }
0x5: {  	s21 =	simm.s32 $0x0;
	s22 =	simm.s32 $0x0;
	s10 =	simm.s32 $0x0  }
0x6: {  	s11 =	simm.s32 $0x0;
	s12 =	simm.s32 $0x0;
	s13 =	simm.s32 $0x0  }
0x7: {  	s14 =	simm.s32 $0x0;
	s15 =	simm.s32 $0x0;
	s3 =	sand.u32 $0x1, s1  }
0x8: {  	s18 =	simm.s32 $0x0;
	s5 =	sshll.u32 s5, $0x4;
	s6 =	ssub.s32 $0x2, s3  }
.Ltmp0:
0x9: {  	s7 =	sshrl.u32 s6, $0x1;
	s6 =	sand.u32 $0x1, s6;
	(pc) =	sbr.rel .LBB1_1-.Ltmp0, $4  }
0xa: {  	s4 =	sadd.s32 $0x181400, s4;
	s5 =	sand.u32 $0x10, s5;
	s6 =	sadd.s32 s6, s7  }
0xb: {  	s31 =	sor.u32 s1, s5;
	s5 =	simm.s32 $0x1;
	s6 =	smul.u32 $0x18, s6  }
0xc: {  	s17 =	smov.u32 s3;
	s7 =	sshrl.u32 s31, $0x1;
	[sflag:s5] =	ssyncpa.u1 $0x0  }
0xd: {  	[sflag:s8] =	ssyncpa.u1 $0x0;
	s16 =	smov.u32 s7;
	s8 =	sor.u32 $0x1, s6  }
.LBB1_4:
0xe: {  	s27 =	sshra.s32 s27, $0x2  }
0xf: {  	s28 =	sshll.u32 s10, $0xA;
	p1 =	sgt.s32 s13, $0x1;
	s29 =	smov.u32 s13  }
0x10: {  	s30 =	sshra.s32 s13, $0x1F;
	s31 =	smov.u32 s12;
	s0 =	sshra.s32 s12, $0x1F  }
0x11: {  	s26 =	sadd.s32 s27, s26;
	s27 =	sand.u32 $0xFFFFE000, s28;
	s28 =	sshll.u32 s11, $0x3  }
0x12: {  	s29 =	simm.s32 @!p1 $0x1;
	s30 =	sand.u32 s30, s13;
	p1 =	sgt.s32 s12, $0xF  }
0x13: {  	s0 =	sand.u32 s0, s12;
	s28 =	sand.u32 $0xFFFFFC00, s28;
	s30 =	sxor.u32 $0xFFFFFFFF, s30  }
0x14: {  	s31 =	simm.s32 @!p1 $0xF;
	s27 =	sadd.s32 s28, s27;
	s29 =	sadd.s32 s30, s29  }
0x15: {  	s0 =	ssub.s32 s31, s0;
	s31 =	sshra.s32 s10, $0x1F;
	p1 =	sgt.s32 s29, $0x0  }
0x16: {  	s28 =	ssub.s32 $0x1, s29;
	s30 =	sadd.s32 $0xFFFFFFF1, s0;
	s0 =	ssub.s32 $0x10, s0  }
0x17: {  	s27 =	sshrl.u32 s27, $0xA;
	s28 =	simm.s32 @p1 $0x0;
	p1 =	sgt.s32 s30, $0x0  }
0x18: {  	v5 =	vld [tilespmem:s24+$0xFFFFFFD0];
	s29 =	smov.u32 s11;
	s30 =	smov.u32 s10;
	s0 =	simm.s32 @p1 $0x0  }
0x19: {  	v58 =	vld [tilespmem:s24+$0xFFFFFFE0];
	p1 =	sgt.s32 s11, $0x380;
	s0 =	smul.u32 s28, s0;
	s28 =	sshra.s32 s11, $0x1F  }
0x1a: {  	[tilespmem:s25+$0x2040 ss:$0x81] =	vst.msk $0xffff, v4;
	v59 =	vld [tilespmem:s24+$0xFFFFFFF0];
	s29 =	simm.s32 @!p1 $0x380;
	p1 =	sgt.s32 s10, $0xC0;
	s28 =	sand.u32 s28, s11  }
0x1b: {  	[tilespmem:s25+$0x2850 ss:$0x81] =	vst.msk $0xffff, v3;
	v60 =	vld [tilespmem:s24+$0x0];
	s31 =	sand.u32 s31, s10;
	s30 =	simm.s32 @!p1 $0xC0;
	s28 =	ssub.s32 s29, s28  }
0x1c: {  	[tilespmem:s25+$0x3060 ss:$0x81] =	vst.msk $0xffff, v2;
	v61 =	vld [tilespmem:s24+$0x10];
	s29 =	smulhi.u32 $0xCCCCCD, s27;
	s30 =	ssub.s32 s30, s31;
	s31 =	sadd.s32 $0xFFFFFC80, s28  }
0x1d: {  	[tilespmem:s25+$0x0 ss:$0x81] =	vst.msk $0xffff, v0;
	s25 =	sand.u32 $0x78, s11;
	v62 =	vld [tilespmem:s24+$0x20];
	s28 =	ssub.s32 $0x400, s28;
	p1 =	sgt.s32 s31, $0x7F  }
0x1e: {  	v63 =	vld [tilespmem:s24+$0xFFFFFFC0];
	[tilespmem:s26+$0x3870 ss:$0x81] =	vst.msk $0xffff, v1;
	s24 =	ssub.s32 $0x140, s30;
	s29 =	smul.u32 $0x140, s29;
	s28 =	simm.s32 @p1 $0x0  }
0x1f: {  	[tilespmem:s26+$0x810 ss:$0x81] =	vst.msk $0xffff, v5;
	s31 =	sshll.u32 s10, $0x7;
	s0 =	smul.u32 s28, s0;
	s28 =	sadd.s32 $0xFFFFFF40, s30  }
0x20: {  	[tilespmem:s26+$0x1020 ss:$0x81] =	vst.msk $0xffff, v58;
	s31 =	sand.u32 $0x380, s31;
	p1 =	sgt.s32 s28, $0x7F;
	s28 =	smul.u32 $0xA0000, s13  }
0x21: {  	[tilespmem:s26+$0x1830 ss:$0x81] =	vst.msk $0xffff, v59;
	s25 =	sor.u32 s25, s31;
	s31 =	smul.u32 $0xA000, s12;
	s27 =	ssub.s32 s27, s29  }
0x22: {  	[tilespmem:s26+$0x2040 ss:$0x81] =	vst.msk $0xffff, v60;
	s30 =	sand.u32 $0x7, s11;
	s24 =	simm.s32 @p1 $0x0;
	s29 =	sadd.s32 s2, s28  }
0x23: {  	[tilespmem:s26+$0x2850 ss:$0x81] =	vst.msk $0xffff, v61;
	s25 =	sshrl.u32 s25, $0x3;
	s0 =	smul.u32 s24, s0;
	s24 =	sadd.s32 s31, s29  }
0x24: {  	[tilespmem:s26+$0x3060 ss:$0x81] =	vst.msk $0xffff, v62;
	s27 =	sshll.u32 s27, $0x7;
	s31 =	sshll.u32 s30, $0x12;
	s24 =	sadd.s32 s25, s24  }
0x25: {  	[tilespmem:s26+$0x0 ss:$0x81] =	vst.msk $0xffff, v63;
	s0 =	sand.u32 $0x3FFFFFFF, s0;
	s25 =	sor.u32 $0x400, s31;
	s24 =	sadd.s32 s27, s24  }
0x26: {  	[hbm4b:s24+s25] =	stream.strided.scatter [tilespmem:s23], [sflag:$0x2], s0, s9, s25, $0x20;
	[tilespmem:$0x10100] =	vst v63  }
.LBB1_5:
0x27: {  	p1 =	slt.u32 s18, $0x2  }
0x28: {  	s23 =	smov.u32 s22;
	s24 =	smov.u32 s15;
	s25 =	smov.u32 s16  }
0x29: {  	s26 =	smov.u32 s17;
	p2 =	sgt.s32 @!p1 s22, $0x1;
	s0 =	sshra.s32 @!p1 s22, $0x1F  }
0x2a: {  	p0 =	por !p0, !p0;
	p2 =	por !p2, p1;
	s0 =	sand.u32 @!p1 s0, s22  }
0x2b: {  	p4 =	sgt.s32 @!p1 s19, $0x380;
	s23 =	simm.s32 @p2 $0x1;
	s0 =	sxor.u32 @!p1 $0xFFFFFFFF, s0  }
0x2c: {  	s22 =	smov.u32 s21;
	p2 =	sgt.s32 @!p1 s21, $0xF;
	s0 =	sadd.s32 @!p1 s0, s23  }
0x2d: {  	p2 =	por !p2, p1;
	s23 =	sshra.s32 @!p1 s21, $0x1F;
	p3 =	sgt.s32 @!p1 s0, $0x0  }
0x2e: {  	s22 =	simm.s32 @p2 $0xF;
	s21 =	sand.u32 @!p1 s23, s21;
	s0 =	ssub.s32 @!p1 $0x1, s0  }
0x2f: {  	s23 =	smov.u32 s20;
	p2 =	por !p3, p1;
	s21 =	ssub.s32 @!p1 s22, s21  }
0x30: {  	s0 =	simm.s32 @!p2 $0x0;
	s22 =	sadd.s32 @!p1 $0xFFFFFFF1, s21;
	p2 =	sgt.s32 @!p1 s20, $0xC0  }
0x31: {  	s21 =	ssub.s32 @!p1 $0x10, s21;
	p3 =	sgt.s32 @!p1 s22, $0x0;
	s22 =	sshra.s32 @!p1 s20, $0x1F  }
0x32: {  	p2 =	por !p2, p1;
	s20 =	sand.u32 @!p1 s22, s20;
	s22 =	sshra.s32 @!p1 s19, $0x1F  }
0x33: {  	s23 =	simm.s32 @p2 $0xC0;
	p2 =	por !p4, p1;
	p3 =	por !p3, p1  }
0x34: {  	s22 =	sand.u32 @!p1 s22, s19;
	s19 =	simm.s32 @p2 $0x380;
	s21 =	simm.s32 @!p3 $0x0  }
0x35: {  	s20 =	ssub.s32 @!p1 s23, s20;
	s23 =	sadd.s32 $0x80, s14;
	s19 =	ssub.s32 @!p1 s19, s22  }
0x36: {  	s0 =	smul.u32 @!p1 s0, s21;
	s21 =	sadd.s32 @!p1 $0xFFFFFF40, s20;
	s22 =	sadd.s32 @!p1 $0xFFFFFC80, s19  }
0x37: {  	s20 =	ssub.s32 @!p1 $0x140, s20;
	p2 =	sgt.s32 @!p1 s21, $0x7F;
	p3 =	sgt.s32 @!p1 s22, $0x7F  }
0x38: {  	s19 =	ssub.s32 @!p1 $0x400, s19;
	s21 =	sadd.s32 $0x80, s15;
	p3 =	por !p3, p1  }
0x39: {  	p2 =	por !p2, p1;
	s19 =	simm.s32 @!p3 $0x0;
	p3 =	sgt.s32 s23, $0x13F  }
0x3a: {  	s27 =	simm.s32 @!p1 $0x2;
	s20 =	simm.s32 @!p2 $0x0;
	s24 =	smov.u32 @p3 s21  }
0x3b: {  	s0 =	smul.u32 @!p1 s19, s0;
	s19 =	sadd.s32 $0x10, s16;
	p2 =	sgt.s32 s24, $0x3FF  }
0x3c: {  	s22 =	smov.u32 s13;
	s13 =	smov.u32 s17;
	s25 =	smov.u32 @p2 s19  }
0x3d: {  	s23 =	simm.s32 @p3 $0x0;
	s19 =	sadd.s32 $0x2, s17;
	p3 =	sgt.s32 s25, $0xF  }
0x3e: {  	s21 =	smov.u32 s12;
	s12 =	smov.u32 s16;
	s26 =	smov.u32 @p3 s19  }
0x3f: {  	s0 =	smul.u32 @!p1 s20, s0;
	s24 =	simm.s32 @p2 $0x0;
	p2 =	sgt.s32 s26, $0x1  }
0x40: {  	s20 =	smov.u32 s10;
	s26 =	smov.u32 @p2 s3;
	p2 =	sne.s32 s18, s8  }
.Ltmp1:
0x41: {  	s10 =	smov.u32 s14;
	s14 =	smov.u32 s23;
	(pc) =	sbr.rel @!p2 .LBB1_6-.Ltmp1, $4  }
0x42: {  	s0 =	sand.u32 @!p1 $0x3FFFFFFF, s0;
	s25 =	smov.u32 @p3 s7;
	s19 =	smov.u32 s11  }
0x43: {  	s11 =	smov.u32 s15;
	s15 =	smov.u32 s24;
	_ =	swait.ge @!p1 [sflag:s27], s0  }
0x44: {  	s0 =	ssub.s32 @!p1 $0x0, s0;
	s16 =	smov.u32 s25;
	[sflag:s27] =	ssyncset.done @!p1 $0x0  }
0x45: {  	s18 =	sadd.s32 $0x1, s18;
	[sflag:s27] =	ssyncadd.s32 @!p1 s0;
	s17 =	smov.u32 s26  }
.LBB1_1:
0x46: {  	p1 =	sge.u32 s18, s6  }
0x47: {  	s23 =	sshrl.u32 @!p1 s15, $0x3  }
0x48: {  	s24 =	sshll.u32 @!p1 s14, $0x3;
	s23 =	smul.u32 @!p1 $0xC00, s23  }
0x49: {  	s25 =	sshll.u32 @!p1 s15, $0x7;
	s24 =	sand.u32 @!p1 $0xFFFFFC00, s24  }
0x4a: {  	s23 =	sadd.s32 @!p1 s23, s24;
	s24 =	sand.u32 @!p1 $0x380, s25  }
0x4b: {  	s25 =	sand.u32 @!p1 $0x7F, s14;
	s23 =	sor.u32 @!p1 s24, s23  }
0x4c: {  	s24 =	sor.u32 @!p1 s25, s23  }
0x4d: {  	s25 =	smulhi.u32 @!p1 $0xAAAAAAAB, s24  }
0x4e: {  	s23 =	smulhi.u32 @!p1 $0xAAAAAAAB, s23  }
0x4f: {  	s31 =	sadd.s32 $0xFFFFFFFF, s18;
	s27 =	smul.u32 @!p1 $0xC0000, s17;
	s25 =	sshrl.u32 @!p1 s25, $0x8  }
0x50: {  	s26 =	sxor.u32 @!p1 $0xFFFFFFFF, s18;
	s23 =	sshrl.u32 @!p1 s23, $0x8;
	s25 =	smul.u32 @!p1 $0x180, s25  }
0x51: {  	s28 =	smul.u32 @!p1 $0xC000, s16;
	s26 =	sshll.u32 @!p1 s26, $0xE;
	s23 =	sand.u32 @!p1 $0x3FF, s23  }
0x52: {  	s23 =	smul.u32 @!p1 $0x30, s23;
	s24 =	ssub.s32 @!p1 s24, s25;
	s25 =	sadd.s32 @!p1 s4, s27  }
0x53: {  	s26 =	sand.u32 @!p1 $0x4000, s26;
	s25 =	sadd.s32 @!p1 s28, s25;
	s27 =	sand.u32 @!p1 $0x7, s24  }
0x54: {  	s24 =	sshrl.u32 @!p1 s24, $0x3;
	s23 =	sadd.s32 @!p1 s23, s25;
	s25 =	sshll.u32 @!p1 s27, $0x12  }
0x55: {  	s23 =	sadd.s32 @!p1 s24, s23;
	s24 =	sor.u32 @!p1 $0x400, s25;
	s25 =	simm.s32 @!p1 $0xC00  }
0x56: {  	[tilespmem:s26], [sflag:$0x1] =	stream.strided.gather @!p1 [hbm4b:s23+s24], $0x4000, s25, s24, $0x38;
	[tilespmem:$0x10100] =	vst v63  }
0x57: {  	p1 =	sge.u32 s31, s6  }
.Ltmp2:
0x58: {  	_ = 	snop;
	(pc) =	sbr.rel @p1 .LBB1_5-.Ltmp2, $1  }
0x59: {  	_ =	sdelay $0x3  }
0x5a: {  	s23 =	simm.s32 $0x1  }
0x5b: {  	_ =	swait.ge [sflag:s5], $0x4000;
	s23 =	simm.s32 @!p0 $0x0  }
0x5c: {  	[sflag:s5] =	ssyncset.done $0x0;
	s24 =	sshll.u32 s23, $0xE  }
0x5d: {  	[sflag:s5] =	ssyncadd.s32 $0xFFFFC000;
	s24 =	sor.u32 $0x40, s24  }
0x5e: {  	s23 =	smul.u32 $0x10200, s23;
	v0 =	vld [tilespmem:s24+$0x30]  }
0x5f: {  	v1 =	vld [tilespmem:s24+$0xFFFFFFD0]  }
0x60: {  	s23 =	sshrl.u32 s23, $0x2;
	v5 =	vld [tilespmem:s24+$0xFFFFFFE0]  }
0x61: {  	v6 =	vld [tilespmem:s24+$0xFFFFFFF0];
	s26 =	sor.u32 $0x8000, s23  }
0x62: {  	s31 =	sand.u32 $0x1, s18;
	v4 =	vld [tilespmem:s24+$0x0];
	s25 =	sadd.s32 $0x0, s26  }
0x63: {  	v3 =	vld [tilespmem:s24+$0x10];
	s23 =	smul.u32 $0x10200, s31;
	[tilespmem:s25+$0x3870 ss:$0x81] =	vst.msk $0xffff, v0  }
0x64: {  	v2 =	vld [tilespmem:s24+$0x20];
	[tilespmem:s25+$0x810 ss:$0x81] =	vst.msk $0xffff, v1  }
0x65: {  	s23 =	sshrl.u32 s23, $0x2;
	v0 =	vld [tilespmem:s24+$0xFFFFFFC0];
	[tilespmem:s25+$0x1020 ss:$0x81] =	vst.msk $0xffff, v5;
	s24 =	sadd.s32 $0x80, s24  }
0x66: {  	s27 =	simm.s32 $0x4;
	s28 =	simm.s32 $0x8;
	s23 =	sor.u32 $0x8000, s23;
	[tilespmem:s25+$0x1830 ss:$0x81] =	vst.msk $0xffff, v6;
	v1 =	vld [tilespmem:s24+$0x30]  }
.LBB1_3:
0x67: {  	p1 =	sne.s32 s28, $0x1FC;
	v5 =	vld [tilespmem:s24+$0xFFFFFFD0];
	[tilespmem:s25+$0x2040 ss:$0x81] =	vst.msk $0xffff, v4  }
0x68: {  	v6 =	vld [tilespmem:s24+$0xFFFFFFE0];
	[tilespmem:s25+$0x2850 ss:$0x81] =	vst.msk $0xffff, v3  }
0x69: {  	s29 =	sshra.s32 s27, $0x2;
	s27 =	smov.u32 s28;
	v7 =	vld [tilespmem:s24+$0xFFFFFFF0];
	[tilespmem:s25+$0x3060 ss:$0x81] =	vst.msk $0xffff, v2  }
.Ltmp3:
0x6a: {  	v4 =	vld [tilespmem:s24+$0x0];
	[tilespmem:s25+$0x0 ss:$0x81] =	vst.msk $0xffff, v0;
	s25 =	sadd.s32 s29, s26;
	(pc) =	sbr.rel @p1 .LBB1_3-.Ltmp3, $4  }
0x6b: {  	v3 =	vld [tilespmem:s24+$0x10];
	[tilespmem:s25+$0x3870 ss:$0x81] =	vst.msk $0xffff, v1  }
0x6c: {  	[tilespmem:s25+$0x810 ss:$0x81] =	vst.msk $0xffff, v5;
	v2 =	vld [tilespmem:s24+$0x20]  }
0x6d: {  	v0 =	vld [tilespmem:s24+$0xFFFFFFC0];
	[tilespmem:s25+$0x1020 ss:$0x81] =	vst.msk $0xffff, v6;
	s24 =	sadd.s32 $0x80, s24  }
0x6e: {  	s28 =	sadd.s32 $0x4, s28;
	v1 =	vld [tilespmem:s24+$0x30];
	[tilespmem:s25+$0x1830 ss:$0x81] =	vst.msk $0xffff, v7  }
.Ltmp4:
0x6f: {  	_ = 	snop;
	(pc) =	sbr.rel .LBB1_4-.Ltmp4, $1  }
0x70: {  	_ =	sdelay $0x3  }
.LBB1_6:
0x71: {  	_ =	sfence.sel $0x180000  }
0x72: {  	s0 =	simm.s32 $0x1;
	[bflag:$0x0] =	sbarrier.arrive $0xFFFF  }
0x73: {  	s31 =	simm.s32 $0x2;
	[sflag:s0] =	ssyncpa.u1 $0x1  }
0x74: {  	[sflag:s31] =	ssyncpa.u1 $0x1  }
0x75: {  	_ =	strace $0x9000004A  }
0x76: {  	[bflag:$0x2] =	sbarrier.arrive $0xFFFF  }
0x77: {  	p0 =	sne.s32 s1, $0x0;
	s0 =	rddreg [dreg:$0x2]  }
0x78: {  	s0 =	sadd.s32 @!p0 $0x100000, s0  }
0x79: {  	[sflag:s0] =	ssyncadd.tile.s32 @!p0 $0x1;
	_ =	shalt  }
.Lfunc_end1:
_tile_overlayer_lowered:
.L_overlay_start_2:
0x7a: {  	(tag) =	ssettag $0x2  }
0x7b: {  	s0 =	rddreg [dreg:$0x0];
	s2 =	stileid.u32  }
0x7c: {  	s1 =	rddreg [dreg:$0x1];
	p0 =	sne.s32 s2, $0x0  }
0x7d: {  	s3 =	rddreg [dreg:$0x2];
	[bflag:$0x3] =	sbarrier.arrive $0xFFFF;
	s2 =	simm.s32 @!p0 $0x1C01  }
0x7e: {  	[timem:s3], [sflag:s2] =	dma.local @!p0 [hbm:s0], s1  }
0x7f: {  	s0 =	simm.s32 @!p0 $0x1  }
0x80: {  	_ =	swait.ge @!p0 [sflag:s0], s1  }
0x81: {  	s1 =	ssub.s32 @!p0 $0x0, s1;
	[sflag:s0] =	ssyncset.done @!p0 $0x0  }
0x82: {  	[sflag:s0] =	ssyncadd.s32 @!p0 s1  }
0x83: {  	[bflag:$0x3] =	sbarrier.arrive $0xFFFF  }
0x84: {  	_ =	shalt  }

</sc_bundles>
